<compile_context>
chip_gen: v7x
topology: tpu7x:2x2x1
jax: 0.10.2.dev20260603
libtpu: 0.0.44.dev20260713+nightly
codegen_flags: <defaults>
</compile_context>

<pallas_src>
import functools

import jax
import jax.numpy as jnp
from jax import lax
from jax.experimental import pallas as pl
from jax.experimental.pallas import tpu as pltpu
from jax.experimental.pallas import tpu_sc as plsc

N = 4096
D = 16
DP = 128
BQ = 2048
GRID = N // BQ
INF = float("inf")


def _nn_idx_body(x_ref, idx_ref, xpad_ref, x2_ref):
    i = pl.program_id(0)

    @pl.when(i == 0)
    def _build_x2():
        xf = x_ref[...]
        x2 = jnp.sum(xf * xf, axis=1, keepdims=True)
        x2_ref[...] = x2.reshape(1, N)

    q = x_ref[pl.ds(i * BQ, BQ), :]
    xpad_ref[:, :D] = q
    g = lax.dot_general(q, x_ref[...], (((1,), (1,)), ((), ())),
                        preferred_element_type=jnp.float32)
    q2 = jnp.sum(q * q, axis=1, keepdims=True)
    G8 = BQ // 8
    s1 = (q2.reshape(G8, 8, 1) + x2_ref[...].reshape(1, 1, N))
    d2 = (s1 - 2.0 * g.reshape(G8, 8, N)).reshape(BQ, N)

    cols = lax.broadcasted_iota(jnp.int32, (BQ, N), 1)
    rows = i * BQ + lax.broadcasted_iota(jnp.int32, (BQ, N), 0)
    d2 = jnp.where(cols == rows, INF, d2)

    m = jnp.min(d2, axis=1, keepdims=True)
    idx = jnp.min(jnp.where(d2 <= m, cols, 2 * N), axis=1)
    idx_ref[...] = idx.reshape(BQ // 128, 128)


def _nn_indices(x):
    return pl.pallas_call(
        _nn_idx_body,
        grid=(GRID,),
        in_specs=[
            pl.BlockSpec((N, D), lambda i: (0, 0)),
        ],
        out_specs=[
            pl.BlockSpec((BQ // 128, 128), lambda i: (i, 0)),
            pl.BlockSpec((BQ, DP), lambda i: (i, 0)),
        ],
        out_shape=[
            jax.ShapeDtypeStruct((N // 128, 128), jnp.int32),
            jax.ShapeDtypeStruct((N, DP), jnp.float32),
        ],
        scratch_shapes=[pltpu.VMEM((1, N), jnp.float32)],
        compiler_params=pltpu.CompilerParams(vmem_limit_bytes=110 * 1024 * 1024),
    )(x)


def _make_sc_gather():
    info = plsc.get_sparse_core_info()
    nw = info.num_cores * info.num_subcores
    b_per_w = N // nw
    mesh = plsc.VectorSubcoreMesh(core_axis_name="c", subcore_axis_name="s")

    @functools.partial(
        pl.kernel,
        mesh=mesh,
        compiler_params=pltpu.CompilerParams(skip_device_barrier=True),
        out_type=jax.ShapeDtypeStruct((N, DP), jnp.float32),
        scratch_types=[
            pltpu.VMEM((8, 128), jnp.int32),
            pltpu.VMEM((b_per_w, DP), jnp.float32),
            pltpu.SemaphoreType.DMA,
        ],
    )
    def gather(table_hbm, idx_hbm, out_hbm, idx_v, rows_v, sem):
        wid = lax.axis_index("s") * info.num_cores + lax.axis_index("c")
        pltpu.sync_copy(idx_hbm.at[pl.ds(8 * (wid // 8), 8)], idx_v)
        pltpu.async_copy(table_hbm.at[idx_v.at[wid % 8]], rows_v, sem).wait()
        pltpu.sync_copy(rows_v, out_hbm.at[pl.ds(wid * b_per_w, b_per_w)])

    return gather


_sc_gather = None


def kernel(x, queue_buf):
    del queue_buf
    global _sc_gather
    if _sc_gather is None:
        _sc_gather = _make_sc_gather()
    idxm, xpad = _nn_indices(x)
    return _sc_gather(xpad, idxm)[:, :D]

# --- scband reference (transcript-rebuilt; emitter-appended) ---
"""Pipeline reference for scband-nearest-neighbor-sampler-43928925503752 (READ-ONLY COPY).

The authoritative reference and input builder live on the scoring server;
editing this copy changes nothing except your own understanding.
"""

import jax, jax.numpy as jnp
import numpy as np


def setup_inputs(seed: int = 0) -> dict:
    key = jax.random.key(seed)
    x = jax.random.normal(jax.random.fold_in(key, 0), (4096, 16), dtype=jnp.float32)
    # Queue buffer (registered buffer, initialized to zeros, queue_size starts at 0)
    queue_buf = jnp.zeros((32768, 16), dtype=jnp.float32)
    return {"x": x, "queue_buf": queue_buf}


def _euclidean(a, b):
    # torch.cdist with p=2 (euclidean)
    a2 = jnp.sum(a * a, axis=-1, keepdims=True)
    b2 = jnp.sum(b * b, axis=-1)
    d2 = a2 + b2[None, :] - 2.0 * (a @ b.T)
    return jnp.sqrt(jnp.clip(d2, 0.0, None))


def reference(x, queue_buf):
    # Training-mode forward of NearestNeighborSampler on a fresh module.
    # Queue.forward: queue = cat((x, zeros_buf))[:max_size]; queue_size = min(0 + B, max_size)
    max_size = queue_buf.shape[0]
    B = x.shape[0]
    q_all = jnp.concatenate([x, queue_buf], axis=0)[:max_size]
    queue_size = min(B, max_size)
    queue = q_all[:queue_size]
    # distances = metric(x, queue)
    distances = _euclidean(x, queue)
    # queue not frozen (not full) -> mask self-distances on the diagonal
    idx = jnp.arange(B)
    distances = distances.at[idx, idx].set(jnp.inf)
    # perplexity = min(self.perplexity=1, queue.shape[0])
    perplexity = min(1, queue.shape[0])
    # torch.topk(largest=False) == top_k of negated distances
    _vals, indices = jax.lax.top_k(-distances, perplexity)
    # self.perplexity == 1 -> knn_idx = indices[:, 0]
    knn_idx = indices[:, 0]
    return jnp.take(queue, knn_idx, axis=0)

if __name__ == "__main__":
    import jax
    _d = setup_inputs()
    print(jax.jit(kernel)(*tuple(_d.values())))

</pallas_src>

<mosaic_0001>
#map = affine_map<(d0, d1) -> (0, 0)>
module attributes {stable_mosaic.version = 14 : i64} {
  func.func @gather(%arg0: i32, %arg1: i32, %arg2: memref<4096x128xf32, #tpu.memory_space<hbm>>, %arg3: memref<32x128xi32, #tpu.memory_space<hbm>>, %arg4: memref<4096x128xf32, #tpu.memory_space<hbm>>, %arg5: memref<8x128xi32, #tpu.memory_space<vmem>>, %arg6: memref<128x128xf32, #tpu.memory_space<vmem>>, %arg7: memref<!tpu.dma_semaphore, #tpu.memory_space<semaphore_mem>>) attributes {dimension_semantics = [#tpu.dimension_semantics<core_parallel>, #tpu.dimension_semantics<subcore_parallel>], iteration_bounds = array<i64: 2, 16>, scalar_prefetch = 0 : i64, scratch_operands = 3 : i64, tpu.core_type = #tpu.core_type<sc_vector_subcore>, window_params = [{transform_indices = #map}, {transform_indices = #map}, {transform_indices = #map}]} {
    %mul3A = arith.constant 2 : i32
    %mul3A_0 = arith.muli %arg1, %mul3A : i32
    %add3A = arith.addi %mul3A_0, %arg0 : i32
    %jit3A = arith.constant 8 : i32
    %div3A = arith.divsi %add3A, %jit3A : i32
    %sign3A = arith.constant 0 : i32
    %sign3A_1 = arith.cmpi sgt, %add3A, %sign3A : i32
    %sign3A_2 = arith.extui %sign3A_1 : i1 to i32
    %sign3A_3 = arith.constant 0 : i32
    %sign3A_4 = arith.cmpi slt, %add3A, %sign3A_3 : i32
    %sign3A_5 = arith.extui %sign3A_4 : i1 to i32
    %sign3A_6 = arith.subi %sign3A_2, %sign3A_5 : i32
    %sign3A_7 = arith.constant 0 : i32
    %sign3A_8 = arith.cmpi sgt, %jit3A, %sign3A_7 : i32
    %sign3A_9 = arith.extui %sign3A_8 : i1 to i32
    %sign3A_10 = arith.constant 0 : i32
    %sign3A_11 = arith.cmpi slt, %jit3A, %sign3A_10 : i32
    %sign3A_12 = arith.extui %sign3A_11 : i1 to i32
    %sign3A_13 = arith.subi %sign3A_9, %sign3A_12 : i32
    %ne3A = arith.cmpi ne, %sign3A_6, %sign3A_13 : i32
    %rem3A = arith.remsi %add3A, %jit3A : i32
    %ne3A_14 = arith.constant 0 : i32
    %ne3A_15 = arith.cmpi ne, %rem3A, %ne3A_14 : i32
    %and3A = arith.andi %ne3A, %ne3A_15 : i1
    %sub3A = arith.constant 1 : i32
    %sub3A_16 = arith.subi %div3A, %sub3A : i32
    %select_n3A = arith.select %and3A, %sub3A_16, %div3A : i32
    %mul3A_17 = arith.constant 8 : i32
    %mul3A_18 = arith.muli %mul3A_17, %select_n3A : i32
    "tpu.region"() ({
      %run_scoped3A = tpu.sem_alloc : memref<!tpu.dma_semaphore, #tpu.memory_space<semaphore_mem>>
      %dma_start3A_45 = arith.constant 0 : i32
      %dma_start3A_46 = tpu.memref_slice %arg3[%mul3A_18, %dma_start3A_45] : memref<32x128xi32, #tpu.memory_space<hbm>> -> memref<8x128xi32, #tpu.memory_space<hbm>>
      %dma_start3A_47 = arith.constant 0 : i32
      %dma_start3A_48 = tpu.memref_slice %arg3[%mul3A_18, %dma_start3A_47] : memref<32x128xi32, #tpu.memory_space<hbm>> -> memref<8x128xi32, #tpu.memory_space<hbm>>
      tpu.enqueue_dma source(%dma_start3A_48 : memref<8x128xi32, #tpu.memory_space<hbm>>) target(%arg5 : memref<8x128xi32, #tpu.memory_space<vmem>>) target_semaphore(%run_scoped3A : memref<!tpu.dma_semaphore, #tpu.memory_space<semaphore_mem>>)
      %dma_wait3A_49 = arith.constant 0 : i32
      %dma_wait3A_50 = tpu.memref_slice %arg3[%mul3A_18, %dma_wait3A_49] : memref<32x128xi32, #tpu.memory_space<hbm>> -> memref<8x128xi32, #tpu.memory_space<hbm>>
      %dma_wait3A_51 = arith.constant 0 : i32
      %dma_wait3A_52 = tpu.memref_slice %arg3[%mul3A_18, %dma_wait3A_51] : memref<32x128xi32, #tpu.memory_space<hbm>> -> memref<8x128xi32, #tpu.memory_space<hbm>>
      tpu.wait_dma2 semaphore(%run_scoped3A : memref<!tpu.dma_semaphore, #tpu.memory_space<semaphore_mem>>) src(%dma_wait3A_52 : memref<8x128xi32, #tpu.memory_space<hbm>>) dst(%arg5 : memref<8x128xi32, #tpu.memory_space<vmem>>)
      tpu.yield
    }) : () -> ()
    %jit3A_19 = arith.constant 8 : i32
    %eq3A = arith.constant 0 : i32
    %eq3A_20 = arith.cmpi eq, %jit3A_19, %eq3A : i32
    %jit3A_21 = arith.constant 1 : i32
    %select_n3A_22 = arith.select %eq3A_20, %jit3A_21, %jit3A_19 : i32
    %rem3A_23 = arith.remsi %add3A, %select_n3A_22 : i32
    %ne3A_24 = arith.constant 0 : i32
    %ne3A_25 = arith.cmpi ne, %rem3A_23, %ne3A_24 : i32
    %lt3A = arith.constant 0 : i32
    %lt3A_26 = arith.cmpi slt, %rem3A_23, %lt3A : i32
    %lt3A_27 = arith.constant 0 : i32
    %lt3A_28 = arith.cmpi slt, %select_n3A_22, %lt3A_27 : i32
    %ne3A_29 = arith.xori %lt3A_26, %lt3A_28 : i1
    %and3A_30 = arith.andi %ne3A_29, %ne3A_25 : i1
    %add3A_31 = arith.addi %rem3A_23, %select_n3A_22 : i32
    %select_n3A_32 = arith.select %and3A_30, %add3A_31, %rem3A_23 : i32
    %dma_start3A = arith.constant 0 : i32
    %dma_start3A_33 = tpu.memref_slice %arg5[%select_n3A_32, %dma_start3A] : memref<8x128xi32, #tpu.memory_space<vmem>> -> memref<1x128xi32, #tpu.memory_space<vmem>>
    %dma_start3A_34 = tpu.memref_squeeze %dma_start3A_33 : memref<1x128xi32, #tpu.memory_space<vmem>> -> memref<128xi32, #tpu.memory_space<vmem>>
    %dma_start3A_35 = arith.constant 0 : i32
    %dma_start3A_36 = arith.constant 0 : i32
    %dma_start3A_37 = tpu.memref_slice %arg2[%dma_start3A_35, %dma_start3A_36] : memref<4096x128xf32, #tpu.memory_space<hbm>> -> memref<4096x128xf32, #tpu.memory_space<hbm>>
    tpu.enqueue_indirect_dma source(%dma_start3A_37 : memref<4096x128xf32, #tpu.memory_space<hbm>>) target(%arg6 : memref<128x128xf32, #tpu.memory_space<vmem>>) offsets(%dma_start3A_34 : memref<128xi32, #tpu.memory_space<vmem>>) semaphore(%arg7 : memref<!tpu.dma_semaphore, #tpu.memory_space<semaphore_mem>>)
    %dma_wait3A = arith.constant 0 : i32
    %dma_wait3A_38 = tpu.memref_slice %arg5[%select_n3A_32, %dma_wait3A] : memref<8x128xi32, #tpu.memory_space<vmem>> -> memref<1x128xi32, #tpu.memory_space<vmem>>
    %dma_wait3A_39 = tpu.memref_squeeze %dma_wait3A_38 : memref<1x128xi32, #tpu.memory_space<vmem>> -> memref<128xi32, #tpu.memory_space<vmem>>
    %dma_wait3A_40 = arith.constant 0 : i32
    %dma_wait3A_41 = arith.constant 0 : i32
    %dma_wait3A_42 = tpu.memref_slice %arg2[%dma_wait3A_40, %dma_wait3A_41] : memref<4096x128xf32, #tpu.memory_space<hbm>> -> memref<4096x128xf32, #tpu.memory_space<hbm>>
    tpu.wait_indirect_dma semaphore(%arg7 : memref<!tpu.dma_semaphore, #tpu.memory_space<semaphore_mem>>) src(%dma_wait3A_42 : memref<4096x128xf32, #tpu.memory_space<hbm>>) dst(%arg6 : memref<128x128xf32, #tpu.memory_space<vmem>>)
    %mul3A_43 = arith.constant 128 : i32
    %mul3A_44 = arith.muli %add3A, %mul3A_43 : i32
    "tpu.region"() ({
      %run_scoped3A = tpu.sem_alloc : memref<!tpu.dma_semaphore, #tpu.memory_space<semaphore_mem>>
      %dma_start3A_45 = arith.constant 0 : i32
      %dma_start3A_46 = tpu.memref_slice %arg4[%mul3A_44, %dma_start3A_45] : memref<4096x128xf32, #tpu.memory_space<hbm>> -> memref<128x128xf32, #tpu.memory_space<hbm>>
      %dma_start3A_47 = arith.constant 0 : i32
      %dma_start3A_48 = tpu.memref_slice %arg4[%mul3A_44, %dma_start3A_47] : memref<4096x128xf32, #tpu.memory_space<hbm>> -> memref<128x128xf32, #tpu.memory_space<hbm>>
      tpu.enqueue_dma source(%arg6 : memref<128x128xf32, #tpu.memory_space<vmem>>) target(%dma_start3A_48 : memref<128x128xf32, #tpu.memory_space<hbm>>) target_semaphore(%run_scoped3A : memref<!tpu.dma_semaphore, #tpu.memory_space<semaphore_mem>>)
      %dma_wait3A_49 = arith.constant 0 : i32
      %dma_wait3A_50 = tpu.memref_slice %arg4[%mul3A_44, %dma_wait3A_49] : memref<4096x128xf32, #tpu.memory_space<hbm>> -> memref<128x128xf32, #tpu.memory_space<hbm>>
      %dma_wait3A_51 = arith.constant 0 : i32
      %dma_wait3A_52 = tpu.memref_slice %arg4[%mul3A_44, %dma_wait3A_51] : memref<4096x128xf32, #tpu.memory_space<hbm>> -> memref<128x128xf32, #tpu.memory_space<hbm>>
      tpu.wait_dma2 semaphore(%run_scoped3A : memref<!tpu.dma_semaphore, #tpu.memory_space<semaphore_mem>>) src(%arg6 : memref<128x128xf32, #tpu.memory_space<vmem>>) dst(%dma_wait3A_52 : memref<128x128xf32, #tpu.memory_space<hbm>>)
      tpu.yield
    }) : () -> ()
    return
  }
}

module attributes {stable_mosaic.version = 14 : i64} {
  func.func @_nn_idx_body(%arg0: i32, %arg1: memref<4096x16xf32, #tpu.memory_space<vmem>>, %arg2: memref<16x128xi32, #tpu.memory_space<vmem>>, %arg3: memref<2048x128xf32, #tpu.memory_space<vmem>>, %arg4: memref<1x4096xf32, #tpu.memory_space<vmem>>) attributes {dimension_semantics = [#tpu.dimension_semantics<arbitrary>], iteration_bounds = array<i64: 2>, scalar_prefetch = 0 : i64, scratch_operands = 1 : i64, tpu.core_type = #tpu.core_type<tc>, window_params = [{pipeline_mode = #tpu.pipeline_mode<synchronous>, transform_indices = @transform_0, window_bounds = array<i64: 4096, 16>}, {transform_indices = @transform_1, window_bounds = array<i64: 16, 128>}, {transform_indices = @transform_2, window_bounds = array<i64: 2048, 128>}]} {
    %eq3A = arith.constant 0 : i32
    %eq3A_0 = arith.cmpi eq, %arg0, %eq3A : i32
    %convert_element_type3A = arith.extui %eq3A_0 : i1 to i32
    %cond3A = arith.constant 0 : i32
    %cond3A_1 = arith.cmpi ne, %convert_element_type3A, %cond3A : i32
    scf.if %cond3A_1 {
      %get3A_43 = arith.constant 0 : index
      %get3A_44 = arith.constant 0 : index
      %get3A_45 = vector.load %arg1[%get3A_43, %get3A_44] : memref<4096x16xf32, #tpu.memory_space<vmem>>, vector<4096x16xf32>
      %mul3A_46 = arith.mulf %get3A_45, %get3A_45 : vector<4096x16xf32>
      %reduce_sum3A_47 = arith.constant dense<0.000000e+00> : vector<4096xf32>
      %reduce_sum3A_48 = vector.multi_reduction <add>, %mul3A_46, %reduce_sum3A_47 [1] : vector<4096x16xf32> to vector<4096xf32>
      %broadcast_in_dim3A_49 = vector.shape_cast %reduce_sum3A_48 : vector<4096xf32> to vector<4096x1xf32>
      %reshape3A_50 = vector.shape_cast %broadcast_in_dim3A_49 : vector<4096x1xf32> to vector<1x4096xf32>
      %swap3A_51 = arith.constant 0 : index
      %swap3A_52 = arith.constant 0 : index
      %swap3A_53 = vector.load %arg4[%swap3A_51, %swap3A_52] : memref<1x4096xf32, #tpu.memory_space<vmem>>, vector<1x4096xf32>
      tpu.vector_store %arg4[%swap3A_51, %swap3A_52], %reshape3A_50 {strides = array<i32>} : memref<1x4096xf32, #tpu.memory_space<vmem>>, vector<1x4096xf32>,
    } else {
    }
    %mul3A = arith.constant 2048 : i32
    %mul3A_2 = arith.muli %arg0, %mul3A : i32
    %get3A = arith.index_cast %mul3A_2 : i32 to index
    %get3A_3 = arith.constant 0 : index
    %get3A_4 = vector.load %arg1[%get3A, %get3A_3] : memref<4096x16xf32, #tpu.memory_space<vmem>>, vector<2048x16xf32>
    %swap3A = arith.constant 0 : index
    %swap3A_5 = arith.constant 0 : index
    %swap3A_6 = vector.load %arg3[%swap3A, %swap3A_5] : memref<2048x128xf32, #tpu.memory_space<vmem>>, vector<2048x16xf32>
    tpu.vector_store %arg3[%swap3A, %swap3A_5], %get3A_4 {strides = array<i32>} : memref<2048x128xf32, #tpu.memory_space<vmem>>, vector<2048x16xf32>,
    %get3A_7 = arith.constant 0 : index
    %get3A_8 = arith.constant 0 : index
    %get3A_9 = vector.load %arg1[%get3A_7, %get3A_8] : memref<4096x16xf32, #tpu.memory_space<vmem>>, vector<4096x16xf32>
    %dot_general3A = arith.constant dense<0.000000e+00> : vector<2048x4096xf32>
    %dot_general3A_10 = tpu.matmul %get3A_4, %get3A_9, %dot_general3A {dimension_numbers = #tpu.dot_dimension_numbers<[1], [1], [0], [0], [0, 0, 1, 0], [], []>, transpose_lhs_hint = false} : vector<2048x16xf32>, vector<4096x16xf32>, vector<2048x4096xf32> -> vector<2048x4096xf32>
    %mul3A_11 = arith.mulf %get3A_4, %get3A_4 : vector<2048x16xf32>
    %reduce_sum3A = arith.constant dense<0.000000e+00> : vector<2048xf32>
    %reduce_sum3A_12 = vector.multi_reduction <add>, %mul3A_11, %reduce_sum3A [1] : vector<2048x16xf32> to vector<2048xf32>
    %broadcast_in_dim3A = vector.shape_cast %reduce_sum3A_12 : vector<2048xf32> to vector<2048x1xf32>
    %reshape3A = vector.shape_cast %broadcast_in_dim3A : vector<2048x1xf32> to vector<256x8x1xf32>
    %get3A_13 = arith.constant 0 : index
    %get3A_14 = arith.constant 0 : index
    %get3A_15 = vector.load %arg4[%get3A_13, %get3A_14] : memref<1x4096xf32, #tpu.memory_space<vmem>>, vector<1x4096xf32>
    %reshape3A_16 = vector.shape_cast %get3A_15 : vector<1x4096xf32> to vector<1x1x4096xf32>
    %add3A = vector.broadcast %reshape3A : vector<256x8x1xf32> to vector<256x8x4096xf32>
    %add3A_17 = vector.broadcast %reshape3A_16 : vector<1x1x4096xf32> to vector<256x8x4096xf32>
    %add3A_18 = arith.addf %add3A, %add3A_17 : vector<256x8x4096xf32>
    %reshape3A_19 = vector.shape_cast %dot_general3A_10 : vector<2048x4096xf32> to vector<256x8x4096xf32>
    %mul3A_20 = arith.constant 2.000000e+00 : f32
    %mul3A_21 = vector.broadcast %mul3A_20 : f32 to vector<256x8x4096xf32>
    %mul3A_22 = arith.mulf %mul3A_21, %reshape3A_19 : vector<256x8x4096xf32>
    %sub3A = arith.subf %add3A_18, %mul3A_22 : vector<256x8x4096xf32>
    %reshape3A_23 = vector.shape_cast %sub3A : vector<256x8x4096xf32> to vector<2048x4096xf32>
    %iota3A = tpu.iota {dimensions = array<i32: 1>} : vector<2048x4096xi32>
    %mul3A_24 = arith.constant 2048 : i32
    %mul3A_25 = arith.muli %arg0, %mul3A_24 : i32
    %iota3A_26 = tpu.iota {dimensions = array<i32: 0>} : vector<2048x4096xi32>
    %add3A_27 = vector.broadcast %mul3A_25 : i32 to vector<2048x4096xi32>
    %add3A_28 = arith.addi %add3A_27, %iota3A_26 : vector<2048x4096xi32>
    %eq3A_29 = arith.cmpi eq, %iota3A, %add3A_28 : vector<2048x4096xi32>
    %jit3A = arith.constant 0x7F800000 : f32
    %broadcast_in_dim3A_30 = vector.broadcast %jit3A : f32 to vector<2048x4096xf32>
    %select_n3A = arith.select %eq3A_29, %broadcast_in_dim3A_30, %reshape3A_23 : vector<2048x4096xi1>, vector<2048x4096xf32>
    %reduce_min3A = arith.constant dense<0x7F800000> : vector<2048xf32>
    %reduce_min3A_31 = vector.multi_reduction <minimumf>, %select_n3A, %reduce_min3A [1] : vector<2048x4096xf32> to vector<2048xf32>
    %broadcast_in_dim3A_32 = vector.shape_cast %reduce_min3A_31 : vector<2048xf32> to vector<2048x1xf32>
    %le3A = vector.broadcast %broadcast_in_dim3A_32 : vector<2048x1xf32> to vector<2048x4096xf32>
    %le3A_33 = arith.cmpf ole, %select_n3A, %le3A : vector<2048x4096xf32>
    %jit3A_34 = arith.constant 8192 : i32
    %broadcast_in_dim3A_35 = vector.broadcast %jit3A_34 : i32 to vector<2048x4096xi32>
    %select_n3A_36 = arith.select %le3A_33, %iota3A, %broadcast_in_dim3A_35 : vector<2048x4096xi1>, vector<2048x4096xi32>
    %reduce_min3A_37 = arith.constant dense<2147483647> : vector<2048xi32>
    %reduce_min3A_38 = vector.multi_reduction <minsi>, %select_n3A_36, %reduce_min3A_37 [1] : vector<2048x4096xi32> to vector<2048xi32>
    %reshape3A_39 = vector.shape_cast %reduce_min3A_38 : vector<2048xi32> to vector<16x128xi32>
    %swap3A_40 = arith.constant 0 : index
    %swap3A_41 = arith.constant 0 : index
    %swap3A_42 = vector.load %arg2[%swap3A_40, %swap3A_41] : memref<16x128xi32, #tpu.memory_space<vmem>>, vector<16x128xi32>
    tpu.vector_store %arg2[%swap3A_40, %swap3A_41], %reshape3A_39 {strides = array<i32>} : memref<16x128xi32, #tpu.memory_space<vmem>>, vector<16x128xi32>,
    return
  }
  func.func @transform_0(%arg0: i32) -> (i32, i32) {
    %c0_i32 = arith.constant 0 : i32
    %c0_i32_0 = arith.constant 0 : i32
    %c0_i32_1 = arith.constant 0 : i32
    return %c0_i32, %c0_i32_0 : i32, i32
  }
  func.func @transform_1(%arg0: i32) -> (i32, i32) {
    %c0_i32 = arith.constant 0 : i32
    %c0_i32_0 = arith.constant 0 : i32
    return %arg0, %c0_i32 : i32, i32
  }
  func.func @transform_2(%arg0: i32) -> (i32, i32) {
    %c0_i32 = arith.constant 0 : i32
    %c0_i32_0 = arith.constant 0 : i32
    return %arg0, %c0_i32 : i32, i32
  }
}

</mosaic_0001>

<sc_bundles>
// kernel: kernel.4.cloned.1.call-start
scs
__scs_entry_jumppad:
0x0: {  	(pc) =	sbr.rel $0x88, $3  }
0x1: {  	(tag) =	ssettag $0x0;
	lr =	simm.s32 $0x1  }
0x2: {  	[smem:$0x3FA0] =	sst lr;
	_ =	strace $0xD0000000  }
0x3: {  	_ = 	snop  }
0x4: {  	_ = 	snop  }
0x5: {  	_ = 	snop  }
0x6: {  	_ = 	snop  }
0x7: {  	_ = 	snop  }
__scs_overlays_trampoline_lowered:
0x8: {  	[smem:$0x3FAF] =	sst s0  }
0x9: {  	[smem:$0x3FB0] =	sst s1  }
0xa: {  	[smem:$0x3FB1] =	sst s2  }
0xb: {  	[smem:$0x3FB2] =	sst s3  }
0xc: {  	[smem:$0x3FB3] =	sst s4  }
0xd: {  	[smem:$0x3FB4] =	sst s5  }
0xe: {  	[smem:$0x3FB5] =	sst s6  }
0xf: {  	[smem:$0x3FB6] =	sst s7  }
0x10: {  	[smem:$0x3FB7] =	sst s8  }
0x11: {  	[smem:$0x3FB8] =	sst s9;
	s0 =	simm.s32 @!p0 $0x0  }
0x12: {  	s1 =	sld [smem:$0x3F9E];
	s0 =	simm.s32 @p0 $0x1  }
0x13: {  	[smem:$0x3FB9] =	sst s0;
	s0 =	simm.s32 @!p1 $0x0  }
0x14: {  	s2 =	sld [smem:$0x3F9D];
	s0 =	simm.s32 @p1 $0x1  }
0x15: {  	[smem:$0x3FBA] =	sst s0;
	s0 =	simm.s32 @!p2 $0x0  }
0x16: {  	s3 =	sld [smem:$0x3FDB];
	s0 =	simm.s32 @p2 $0x1  }
0x17: {  	s4 =	simm.s32 $0x1BF5;
	[smem:$0x3FBC] =	sst s0  }
0x18: {  	s0 =	sld [smem:$0x3F9F];
	_ =	swait.ge [sflag:s4], $0x0  }
0x19: {  	s7 =	sld [smem:$0x3FA0]  }
0x1a: {  	s8 =	sadd.s32 $0xFFFFE003, lr  }
0x1b: {  	s9 =	sadd.s32 $0xFFFFFEF7, lr;
	s5 =	simm.s32 $0xFFFFFFFF;
	p2 =	slt.u32 s8, $0xFFFFF086  }
0x1c: {  	p1 =	slt.u32 s9, $0xF7A;
	s5 =	simm.s32 @!p2 $0x0  }
0x1d: {  	s5 =	simm.s32 @p1 $0x1;
	p0 =	seq.s32 s7, s2  }
0x1e: {  	s7 =	smul.u32 @!p0 $0xF7A, s2;
	p2 =	seq.s32 @!p0 s5, $0x0  }
0x1f: {  	s9 =	smul.u32 $0xF7A, s1;
	s8 =	simm.s32 @!p0 $0x1BF5;
	p2 =	por !p2, p0  }
0x20: {  	[sflag:s8] =	ssyncset.s32 @!p0 $0xFFFFF086;
	s6 =	sadd.s32 @!p0 s3, s7;
	s7 =	simm.s32 @!p0 $0x108  }
0x21: {  	s3 =	sadd.s32 s3, s9;
	s6 =	sadd.s32 @!p0 $0x88, s6;
	s7 =	simm.s32 @p2 $0x1082  }
0x22: {  	[simem:s7], [sflag:s8] =	dma.local @!p0 [hbm:s6], $0xF7A  }
0x23: {  	s9 =	sor.u32 $0xD0000000, s2;
	s6 =	simm.s32 $0x108;
	_ =	swait.ge @!p0 [sflag:s8], $0x0  }
0x24: {  	s3 =	sadd.s32 $0x88, s3;
	s6 =	simm.s32 @!p1 $0x1082;
	[sflag:s4] =	ssyncset.s32 $0xFFFFF086  }
0x25: {  	[simem:s6], [sflag:s4] =	dma.local [hbm:s3], $0xF7A  }
0x26: {  	[smem:$0x3FA0] =	sst s1;
	(tag) =	ssettag s2;
	_ =	strace s9  }
0x27: {  	s1 =	sld [smem:$0x3FB0]  }
0x28: {  	s2 =	sld [smem:$0x3FB1]  }
0x29: {  	s4 =	sld [smem:$0x3FB3]  }
0x2a: {  	p0 =	seq.s32 s5, $0x0;
	s5 =	sld [smem:$0x3FB4]  }
0x2b: {  	s6 =	sld [smem:$0x3FB5]  }
0x2c: {  	s7 =	sld [smem:$0x3FB6]  }
0x2d: {  	s3 =	simm.s32 $0x108;
	s8 =	sld [smem:$0x3FB7]  }
0x2e: {  	s3 =	simm.s32 @!p0 $0x1082;
	s9 =	sld [smem:$0x3FB8]  }
0x2f: {  	lr =	sadd.s32 s0, s3;
	s0 =	sld [smem:$0x3FAF]  }
0x30: {  	s3 =	sld [smem:$0x3FB2]  }
0x31: {  	[smem:$0x3FBB] =	sst s10  }
0x32: {  	s10 =	sld [smem:$0x3FB9];
	_ =	sdelay $0x3  }
0x33: {  	p0 =	seq.s32 s10, $0x1;
	s10 =	sld [smem:$0x3FBB];
	_ =	sdelay $0x3  }
0x34: {  	[smem:$0x3FBB] =	sst s10  }
0x35: {  	s10 =	sld [smem:$0x3FBA];
	_ =	sdelay $0x3  }
0x36: {  	p1 =	seq.s32 s10, $0x1;
	s10 =	sld [smem:$0x3FBB];
	_ =	sdelay $0x3  }
0x37: {  	[smem:$0x3FBB] =	sst s10  }
0x38: {  	s10 =	sld [smem:$0x3FBC]  }
0x39: {  	_ = 	snop;
	(pc) =	sbr.ind lr, $3  }
0x3a: {  	_ = 	snop  }
0x3b: {  	_ = 	snop  }
0x3c: {  	p2 =	seq.s32 s10, $0x1;
	s10 =	sld [smem:$0x3FBB]  }
0x3d: {  	_ =	shalt  }
0x3e: {  	_ =	shalt  }
0x3f: {  	_ =	shalt  }
0x40: {  	_ =	shalt  }
0x41: {  	_ =	shalt  }
0x42: {  	_ =	shalt  }
0x43: {  	_ =	shalt  }
0x44: {  	_ =	shalt  }
0x45: {  	_ =	shalt  }
0x46: {  	_ =	shalt  }
0x47: {  	_ =	shalt  }
0x48: {  	_ =	shalt  }
0x49: {  	_ =	shalt  }
0x4a: {  	_ =	shalt  }
0x4b: {  	_ =	shalt  }
0x4c: {  	_ =	shalt  }
0x4d: {  	_ =	shalt  }
0x4e: {  	_ =	shalt  }
0x4f: {  	_ =	shalt  }
0x50: {  	_ =	shalt  }
0x51: {  	_ =	shalt  }
0x52: {  	_ =	shalt  }
0x53: {  	_ =	shalt  }
0x54: {  	_ =	shalt  }
0x55: {  	_ =	shalt  }
0x56: {  	_ =	shalt  }
0x57: {  	_ =	shalt  }
0x58: {  	_ =	shalt  }
0x59: {  	_ =	shalt  }
0x5a: {  	_ =	shalt  }
0x5b: {  	_ =	shalt  }
0x5c: {  	_ =	shalt  }
0x5d: {  	_ =	shalt  }
0x5e: {  	_ =	shalt  }
0x5f: {  	_ =	shalt  }
0x60: {  	_ =	shalt  }
0x61: {  	_ =	shalt  }
0x62: {  	_ =	shalt  }
0x63: {  	_ =	shalt  }
0x64: {  	_ =	shalt  }
0x65: {  	_ =	shalt  }
0x66: {  	_ =	shalt  }
0x67: {  	_ =	shalt  }
0x68: {  	_ =	shalt  }
0x69: {  	_ =	shalt  }
0x6a: {  	_ =	shalt  }
0x6b: {  	_ =	shalt  }
0x6c: {  	_ =	shalt  }
0x6d: {  	_ =	shalt  }
0x6e: {  	_ =	shalt  }
0x6f: {  	_ =	shalt  }
0x70: {  	_ =	shalt  }
0x71: {  	_ =	shalt  }
0x72: {  	_ =	shalt  }
0x73: {  	_ =	shalt  }
0x74: {  	_ =	shalt  }
0x75: {  	_ =	shalt  }
0x76: {  	_ =	shalt  }
0x77: {  	_ =	shalt  }
0x78: {  	_ =	shalt  }
0x79: {  	_ =	shalt  }
0x7a: {  	_ =	shalt  }
0x7b: {  	_ =	shalt  }
0x7c: {  	_ =	shalt  }
0x7d: {  	_ =	shalt  }
0x7e: {  	_ =	shalt  }
0x7f: {  	_ =	shalt  }
0x80: {  	_ =	shalt  }
0x81: {  	_ =	shalt  }
0x82: {  	_ =	shalt  }
0x83: {  	_ =	shalt  }
0x84: {  	_ =	shalt  }
0x85: {  	_ =	shalt  }
0x86: {  	_ =	shalt  }
0x87: {  	_ =	shalt  }
.Lfunc_end0:
.L_simem_size_0:
called_computation_lowered:
.L_overlay_start_0:
0x88: {  	s2 =	sld [smem:$0x3FD9]  }
0x89: {  	s3 =	sld [smem:$0x3FFE];
	_ =	sdelay $0x1  }
0x8a: {  	s1 =	srdreg.scid  }
0x8b: {  	s0 =	sand.u32 $0x1, s1  }
0x8c: {  	s17 =	sshll.u32 s0, $0xA;
	s2 =	sadd.s32 s3, s2  }
0x8d: {  	s2 =	sadd.s32 s2, s17  }
0x8e: {  	[smem:$0x3FC7] =	sst s2  }
0x8f: {  	_ = 	snop  }
0x90: {  	s2 =	sld [smem:$0x3FD0];
	(tm) =	ssettm $0x1  }
0x91: {  	s18 =	sld [smem:$0x3FFB];
	_ =	sdelay $0x3  }
0x92: {  	_ =	strace s18  }
0x93: {  	s3 =	sld [smem:$0x3FFC];
	_ =	sdelay $0x3  }
0x94: {  	_ =	strace s3  }
0x95: {  	s3 =	sld [smem:$0x3FFD];
	_ =	sdelay $0x3  }
0x96: {  	_ =	strace s3  }
0x97: {  	_ =	strace $0x8FFFFFFF  }
0x98: {  	s19 =	sld [smem:$0x3FDB];
	_ =	sdelay $0x1  }
0x99: {  	s4 =	simm.s32 $_scs_section_size  }
0x9a: {  	s5 =	simm.s32 $_size__tile_overlayer_lowered;
	s6 =	simm.s32 $_tile_overlayer_lowered  }
0x9b: {  	s22 =	simm.s32 $0x1BFF;
	s21 =	sshll.u32 s6, $0x1;
	s3 =	sadd.s32 s4, s19  }
0x9c: {  	s7 =	simm.s32 $0x0;
	s20 =	sshll.u32 s5, $0x1;
	s5 =	sadd.s32 s21, s3  }
0x9d: {  	[timem:s7], [sflag:s22] =	dma.local [hbm:s5], s20  }
0x9e: {  	_ =	swait.ge [sflag:s22], s20  }
0x9f: {  	s4 =	ssub.s32 $0x0, s20;
	[sflag:s22] =	ssyncset.done $0x0  }
0xa0: {  	[sflag:s22] =	ssyncadd.s32 s4;
	_ =	sdelay $0x1  }
0xa1: {  	s23 =	simm.s32 $0x1B8B  }
0xa2: {  	_ =	swait.ge [sflag:s23], $0x1  }
0xa3: {  	[sflag:s23] =	ssyncset.done $0x0  }
0xa4: {  	s25 =	simm.s32 $0x1B8E;
	s24 =	sld [smem:$0x3FFE];
	[sflag:s23] =	ssyncadd.s32 $0xFFFFFFFF  }
0xa5: {  	s26 =	simm.s32 $execute0_lowered;
	[smem:$0x3FD2] =	sst s25  }
0xa6: {  	s5 =	sshll.u32 s26, $0x1;
	_ =	strace $0x80000046;
	[dreg:$0x1] =	wrdreg $0xFFFFFFFF  }
0xa7: {  	s28 =	simm.s32 $_size_execute0_lowered;
	s3 =	sadd.s32 s3, s5;
	[dreg:$0x0] =	wrdreg $0x0  }
0xa8: {  	s5 =	sshll.u32 s28, $0x1;
	[dreg:$0x2] =	wrdreg s3  }
0xa9: {  	[dreg:$0x3] =	wrdreg s5  }
0xaa: {  	[dreg:$0x4] =	wrdreg $0xC0  }
0xab: {  	_ =	task [dreg:s7], $0x5FFFF  }
0xac: {  	[dreg:$0x1] =	wrdreg $0xFFFFFFFF  }
0xad: {  	[dreg:$0x0] =	wrdreg $0x60  }
0xae: {  	[dreg:$0x2] =	wrdreg s24  }
0xaf: {  	[dreg:$0x3] =	wrdreg s2  }
0xb0: {  	[dreg:$0x4] =	wrdreg $0x9  }
0xb1: {  	_ =	task.clear_ibuf [dreg:s7], $0x5FFFF;
	_ =	strace $0x90000046  }
0xb2: {  	s29 =	simm.s32 $0x9;
	_ =	strace $0x80000048  }
0xb3: {  	_ =	swait.ge [sflag:s29], $0x1  }
0xb4: {  	[sflag:s29] =	ssyncadd.s32 $0xFFFFFFFF  }
0xb5: {  	_ =	strace $0x90000048  }
0xb6: {  	_ =	sfence  }
0xb7: {  	s30 =	sld [smem:$0x0];
	_ =	sdelay $0x2  }
0xb8: {  	s31 =	sshll.u32 s1, $0xD;
	s1 =	sshrl.u32 s1, $0x2  }
0xb9: {  	s3 =	sand.u32 $0x4000, s31;
	s1 =	sadd.s32 s1, s30  }
0xba: {  	s0 =	sor.u32 s3, s0;
	s1 =	sshll.u32 s1, $0x11  }
0xbb: {  	s0 =	sor.u32 s1, s0  }
0xbc: {  	s0 =	sadd.s32 $0x8F2B, s0  }
0xbd: {  	[sflag:s0] =	ssyncadd.remote.s32 $0x1  }
0xbe: {  	_ =	sfence.sel $0xFFFF  }
0xbf: {  	[dreg:$0x0] =	wrdreg $0xFFFFFFFF;
	(pc) =	sbr.abs _section_cstart, $3  }
0xc0: {  	[dreg:$0x1] =	wrdreg $0xFFFFFFFF  }
0xc1: {  	_ =	task.clear_ibuf [dreg:s7], $0x2FFFF;
	_ =	strace $0x9FFFFFFF  }
0xc2: {  	(tm) =	ssettm $0x7FFFFFFF  }
0xc3: {  	_ =	shalt  }
tec
execute0_lowered:
.L_overlay_start_1:
0x0: {  	(tag) =	ssettag $0x1  }
0x1: {  	s10 =	rddreg [dreg:$0x0]  }
0x2: {  	s4 =	rddreg [dreg:$0x1]  }
0x3: {  	s0 =	rddreg [dreg:$0x2]  }
0x4: {  	s2 =	simm.s32 $0x0;
	s1 =	stileid.u32;
	s5 =	srdreg.scid  }
0x5: {  	s8 =	simm.s32 $0x400;
	s9 =	simm.s32 $0x1;
	[smem:$0x7FF] =	sst s2  }
0x6: {  	s3 =	sadd.s32 $0x10600, s10;
	s6 =	sshll.u32 s1, $0x5;
	s7 =	sand.u32 $0x1, s5  }
0x7: {  	s29 =	sshll.u32 s1, $0x1;
	_ =	strace $0x80000047;
	s6 =	sand.u32 $0x180, s6  }
0x8: {  	s11 =	sor.u32 s7, s29;
	s12 =	ssub.s32 $0x2, s7;
	s7 =	simm.s32 $0x80  }
0x9: {  	s5 =	sadd.s32 s4, s6;
	s4 =	simm.s32 $0x2;
	s30 =	sshll.u32 s11, $0x7  }
0xa: {  	[tilespmem:s2], [sflag:$0x2] =	stream.linear.gather [hbm4b:s5+s2], $0x400, $0x38;
	[tilespmem:$0x4400] =	vst v63  }
0xb: {  	s11 =	sshll.u32 s11, $0xB;
	s13 =	sshrl.u32 s12, $0x1;
	_ =	swait.ge [sflag:s4], $0x400  }
0xc: {  	s6 =	sand.u32 $0x380, s30;
	s31 =	ssub.s32 s12, s13;
	[sflag:s4] =	ssyncset.done $0x0  }
0xd: {  	s10 =	sadd.s32 s11, s10;
	s11 =	smax.u32 s31, $0x1;
	[sflag:s4] =	ssyncadd.s32 $0xFFFFFC00  }
0xe: {  	[tilespmem:s8], [sflag:$0x1] =	stream.indirect.gather [hbm4b:s3+s7], $0x80, s6, s7, $0xb8;
	[tilespmem:$0x4400] =	vst v63  }
0xf: {  	p0 =	sne.s32 s11, $0x1;
	_ =	swait.ge [sflag:s9], $0x4000  }
.Ltmp0:
0x10: {  	[sflag:s9] =	ssyncset.done $0x0;
	(pc) =	sbr.rel @!p0 .LBB2_2-.Ltmp0, $4  }
0x11: {  	s10 =	sadd.s32 $0x600, s10;
	[sflag:s9] =	ssyncadd.s32 $0xFFFFC000  }
0x12: {  	[hbm4b:s10+s2] =	stream.linear.scatter [tilespmem:s8], [sflag:$0x2], $0x4000, $0x38;
	[tilespmem:$0x4400] =	vst v63  }
0x13: {  	_ =	swait.ge [sflag:s4], $0x4000  }
0x14: {  	s11 =	sadd.s32 $0xFFFFFFFF, s11;
	[sflag:s4] =	ssyncset.done $0x0  }
.LBB2_1:
0x15: {  	p0 =	sne.s32 s11, $0x1;
	s11 =	sadd.s32 $0xFFFFFFFF, s11;
	[sflag:s4] =	ssyncadd.s32 $0xFFFFC000  }
0x16: {  	[tilespmem:s2], [sflag:$0x2] =	stream.linear.gather [hbm4b:s5+s2], $0x400, $0x38;
	[tilespmem:$0x4400] =	vst v63  }
0x17: {  	_ =	swait.ge [sflag:s4], $0x400  }
0x18: {  	[sflag:s4] =	ssyncset.done $0x0  }
0x19: {  	[sflag:s4] =	ssyncadd.s32 $0xFFFFFC00  }
0x1a: {  	[tilespmem:s8], [sflag:$0x1] =	stream.indirect.gather [hbm4b:s3+s7], $0x80, s6, s7, $0xb8;
	[tilespmem:$0x4400] =	vst v63  }
0x1b: {  	_ =	swait.ge [sflag:s9], $0x4000  }
.Ltmp1:
0x1c: {  	[sflag:s9] =	ssyncset.done $0x0;
	(pc) =	sbr.rel @p0 .LBB2_1-.Ltmp1, $4  }
0x1d: {  	[sflag:s9] =	ssyncadd.s32 $0xFFFFC000  }
0x1e: {  	[hbm4b:s10+s2] =	stream.linear.scatter [tilespmem:s8], [sflag:$0x2], $0x4000, $0x38;
	[tilespmem:$0x4400] =	vst v63  }
0x1f: {  	_ =	swait.ge [sflag:s4], $0x4000  }
0x20: {  	[sflag:s4] =	ssyncset.done $0x0  }
.LBB2_2:
0x21: {  	[sflag:s4] =	ssyncadd.s32 $0xFFFFC000  }
0x22: {  	_ =	sfence.sel $0x180000  }
0x23: {  	[bflag:$0x0] =	sbarrier.arrive $0xFFFF  }
0x24: {  	p0 =	sne.s32 s1, $0x0;
	_ =	strace $0x90000047  }
0x25: {  	s0 =	sadd.s32 @!p0 $0x100000, s0;
	[bflag:$0x2] =	sbarrier.arrive $0xFFFF  }
0x26: {  	[sflag:s0] =	ssyncadd.tile.s32 @!p0 $0x1;
	_ =	shalt  }
.Lfunc_end2:
_tile_overlayer_lowered:
.L_overlay_start_2:
0x27: {  	(tag) =	ssettag $0x2  }
0x28: {  	s0 =	rddreg [dreg:$0x0];
	s2 =	stileid.u32  }
0x29: {  	s1 =	rddreg [dreg:$0x1];
	p0 =	sne.s32 s2, $0x0  }
0x2a: {  	s3 =	rddreg [dreg:$0x2];
	[bflag:$0x3] =	sbarrier.arrive $0xFFFF;
	s2 =	simm.s32 @!p0 $0x1C02  }
0x2b: {  	[timem:s3], [sflag:s2] =	dma.local @!p0 [hbm:s0], s1  }
0x2c: {  	s0 =	simm.s32 @!p0 $0x2  }
0x2d: {  	_ =	swait.ge @!p0 [sflag:s0], s1  }
0x2e: {  	s1 =	ssub.s32 @!p0 $0x0, s1;
	[sflag:s0] =	ssyncset.done @!p0 $0x0  }
0x2f: {  	[sflag:s0] =	ssyncadd.s32 @!p0 s1  }
0x30: {  	[bflag:$0x3] =	sbarrier.arrive $0xFFFF  }
0x31: {  	_ =	shalt  }

</sc_bundles>
